<compile_context>
chip_gen: v7x
topology: tpu7x:2x2x1
jax: 0.10.2.dev20260603
libtpu: 0.0.44.dev20260713+nightly
codegen_flags: <defaults>
</compile_context>

<pallas_src>
import functools

import jax
import jax.numpy as jnp
from jax import lax
from jax.experimental import pallas as pl
from jax.experimental.pallas import tpu as pltpu
from jax.experimental.pallas import tpu_sc as plsc

_GAMMA = 0.9
_NPOS = 1024
_NNEG = 8192
_NTOT = 9216
_CHUNK = 1024


_info = plsc.get_sparse_core_info()
_NC = _info.num_cores
_NS = _info.num_subcores
_NW = _NC * _NS
_BPW = _NPOS // _NW


@functools.partial(
    pl.kernel,
    out_type=[
        jax.ShapeDtypeStruct((_NPOS,), jnp.float32),
        jax.ShapeDtypeStruct((_NPOS,), jnp.float32),
    ],
    mesh=plsc.VectorSubcoreMesh(core_axis_name="c", subcore_axis_name="s"),
    scratch_types=[
        pltpu.VMEM((_BPW,), jnp.int32),
        pltpu.VMEM((_BPW,), jnp.float32),
        pltpu.VMEM((_BPW,), jnp.float32),
        pltpu.SemaphoreType.DMA,
        pltpu.SemaphoreType.DMA,
    ],
)
def _sc_gather(idx_hbm, ua_hbm, up_hbm, oa_hbm, op_hbm,
               idx_v, a_v, p_v, sem_a, sem_p):
    wid = lax.axis_index("s") * _NC + lax.axis_index("c")
    base = wid * _BPW
    pltpu.sync_copy(idx_hbm.at[pl.ds(base, _BPW)], idx_v)
    cp_a = pltpu.async_copy(ua_hbm.at[idx_v], a_v, sem_a)
    cp_p = pltpu.async_copy(up_hbm.at[idx_v], p_v, sem_p)
    cp_a.wait()
    cp_p.wait()
    pltpu.sync_copy(a_v, oa_hbm.at[pl.ds(base, _BPW)])
    pltpu.sync_copy(p_v, op_hbm.at[pl.ds(base, _BPW)])


def _dense_body(fp_ref, fn_ref, idx_ref, out_ref):
    fp_row = fp_ref[...].reshape(1, _NPOS)
    fp_col = jnp.transpose(fp_row)
    a1 = 1.0 - fp_col

    hb = jnp.maximum(a1 + fp_row, 0.0)
    t_col = jnp.sum(hb * hb, axis=1, keepdims=True)
    s_col = t_col
    for c in range(_NNEG // _CHUNK):
        v = fn_ref[...].reshape(1, _NNEG)[:, c * _CHUNK:(c + 1) * _CHUNK]
        hb = jnp.maximum(a1 + v, 0.0)
        s_col = s_col + jnp.sum(hb * hb, axis=1, keepdims=True)

    ir = idx_ref[...].reshape(1, _NPOS)
    ic = jnp.transpose(ir)
    eq = ic == ir
    cid0 = lax.broadcasted_iota(jnp.int32, (_NPOS, _NPOS), 0)
    wmat = jnp.where(eq, cid0, -1)
    w_row = jnp.max(wmat, axis=0, keepdims=True)
    onehot = (wmat == w_row).astype(jnp.float32)

    sw_row = jnp.sum(onehot * s_col, axis=0, keepdims=True)
    tw_row = jnp.sum(onehot * t_col, axis=0, keepdims=True)
    out_ref[...] = jnp.concatenate(
        [jnp.transpose(s_col), jnp.transpose(t_col), sw_row, tw_row], axis=0)


_dense_call = pl.pallas_call(
    _dense_body,
    out_shape=jax.ShapeDtypeStruct((4, _NPOS), jnp.float32),
)


def _combine_body(d_ref, ua_ref, up_ref, out_ref):
    d = d_ref[...]
    s = d[0:1, :]
    t = d[1:2, :]
    sw = d[2:3, :]
    tw = d[3:4, :]
    ua = ua_ref[...].reshape(1, _NPOS)
    up = up_ref[...].reshape(1, _NPOS)
    ninv = jnp.float32(1.0 / _NTOT)
    g = jnp.float32(_GAMMA)
    a = (1.0 - g) * ua + g * ninv * sw
    p = (1.0 - g) * up + g * ninv * tw
    out_ref[0, 0] = jnp.sum((p * s - a * t) / (a * a))


_combine_call = pl.pallas_call(
    _combine_body,
    out_shape=jax.ShapeDtypeStruct((1, 1), jnp.float32),
    out_specs=pl.BlockSpec(memory_space=pltpu.SMEM),
)


def kernel(f_ps, f_ns, index_s, u_all, u_pos):
    f_ps = f_ps.reshape(-1).astype(jnp.float32)
    f_ns = f_ns.reshape(-1).astype(jnp.float32)
    idx = index_s.reshape(-1).astype(jnp.int32)

    ua_g, up_g = _sc_gather(idx, u_all[:, 0], u_pos[:, 0])
    d = _dense_call(f_ps, f_ns, idx)
    out = _combine_call(d, ua_g, up_g)
    return out.reshape(())

# --- scband reference (transcript-rebuilt; emitter-appended) ---
"""Pipeline reference for scband-soaploss-74345883894228 (READ-ONLY COPY).

The authoritative reference and input builder live on the scoring server;
editing this copy changes nothing except your own understanding.
"""

import jax, jax.numpy as jnp
import numpy as np

DATA_LENGTH = 100000
THRESHOLD = 1.0
GAMMA = 0.9


def setup_inputs(seed: int = 0) -> dict:
    key = jax.random.key(seed)
    k1, k2, k3 = jax.random.split(key, 3)
    f_ps = jax.random.normal(k1, (1024,), dtype=jnp.float32)
    f_ns = jax.random.normal(k2, (8192,), dtype=jnp.float32)
    index_s = jax.random.randint(k3, (1024,), 0, DATA_LENGTH, dtype=jnp.int64)
    # moving-average buffers (registered buffers in the torch module, start at zero)
    u_all = jnp.zeros((DATA_LENGTH, 1), dtype=jnp.float32)
    u_pos = jnp.zeros((DATA_LENGTH, 1), dtype=jnp.float32)
    return {"f_ps": f_ps, "f_ns": f_ns, "index_s": index_s, "u_all": u_all, "u_pos": u_pos}


def reference(f_ps, f_ns, index_s, u_all, u_pos):
    f_ps = f_ps.reshape(-1)
    f_ns = f_ns.reshape(-1)
    vec_dat = jnp.concatenate((f_ps, f_ns), axis=0)
    n_pos = f_ps.shape[0]
    mat_data = jnp.tile(vec_dat[None, :], (n_pos, 1))
    f_ps_col = f_ps.reshape(-1, 1)
    neg_mask = jnp.ones_like(mat_data).at[:, :n_pos].set(0.0)
    pos_mask = jnp.zeros_like(mat_data).at[:, :n_pos].set(1.0)
    # loss_type == 'sqh' (squared hinge)
    h = jnp.maximum(THRESHOLD - (f_ps_col - mat_data), jnp.zeros_like(mat_data)) ** 2
    pos_loss = h * pos_mask
    neg_loss = h * neg_mask
    loss = pos_loss + neg_loss
    # n_pos > 1 branch: per-row moving-average scatter update (overwrite semantics)
    u_all_new = u_all.at[index_s].set((1.0 - GAMMA) * u_all[index_s] + GAMMA * loss.mean(axis=1, keepdims=True))
    u_pos_new = u_pos.at[index_s].set((1.0 - GAMMA) * u_pos[index_s] + GAMMA * pos_loss.mean(axis=1, keepdims=True))
    p = (u_pos_new[index_s] - u_all_new[index_s] * pos_mask) / (u_all_new[index_s] ** 2)
    p = jax.lax.stop_gradient(p)
    out = jnp.sum(p * loss)
    return out

if __name__ == "__main__":
    import jax
    _d = setup_inputs()
    print(jax.jit(kernel)(*tuple(_d.values())))

</pallas_src>

<mosaic_0001>
#map = affine_map<(d0, d1) -> (0)>
module attributes {stable_mosaic.version = 14 : i64} {
  func.func @_sc_gather(%arg0: i32, %arg1: i32, %arg2: memref<1024xi32, #tpu.memory_space<hbm>>, %arg3: memref<100000xf32, #tpu.memory_space<hbm>>, %arg4: memref<100000xf32, #tpu.memory_space<hbm>>, %arg5: memref<1024xf32, #tpu.memory_space<hbm>>, %arg6: memref<1024xf32, #tpu.memory_space<hbm>>, %arg7: memref<32xi32, #tpu.memory_space<vmem>>, %arg8: memref<32xf32, #tpu.memory_space<vmem>>, %arg9: memref<32xf32, #tpu.memory_space<vmem>>, %arg10: memref<!tpu.dma_semaphore, #tpu.memory_space<semaphore_mem>>, %arg11: memref<!tpu.dma_semaphore, #tpu.memory_space<semaphore_mem>>) attributes {dimension_semantics = [#tpu.dimension_semantics<core_parallel>, #tpu.dimension_semantics<subcore_parallel>], iteration_bounds = array<i64: 2, 16>, scalar_prefetch = 0 : i64, scratch_operands = 5 : i64, tpu.core_type = #tpu.core_type<sc_vector_subcore>, window_params = [{transform_indices = #map}, {transform_indices = #map}, {transform_indices = #map}, {transform_indices = #map}, {transform_indices = #map}]} {
    %mul3A = arith.constant 2 : i32
    %mul3A_0 = arith.muli %arg1, %mul3A : i32
    %add3A = arith.addi %mul3A_0, %arg0 : i32
    %mul3A_1 = arith.constant 32 : i32
    %mul3A_2 = arith.muli %add3A, %mul3A_1 : i32
    "tpu.region"() ({
      %run_scoped3A = tpu.sem_alloc : memref<!tpu.dma_semaphore, #tpu.memory_space<semaphore_mem>>
      %dma_start3A_9 = tpu.memref_slice %arg2[%mul3A_2] : memref<1024xi32, #tpu.memory_space<hbm>> -> memref<32xi32, #tpu.memory_space<hbm>>
      %dma_start3A_10 = tpu.memref_slice %arg2[%mul3A_2] : memref<1024xi32, #tpu.memory_space<hbm>> -> memref<32xi32, #tpu.memory_space<hbm>>
      tpu.enqueue_dma source(%dma_start3A_10 : memref<32xi32, #tpu.memory_space<hbm>>) target(%arg7 : memref<32xi32, #tpu.memory_space<vmem>>) target_semaphore(%run_scoped3A : memref<!tpu.dma_semaphore, #tpu.memory_space<semaphore_mem>>)
      %dma_wait3A_11 = tpu.memref_slice %arg2[%mul3A_2] : memref<1024xi32, #tpu.memory_space<hbm>> -> memref<32xi32, #tpu.memory_space<hbm>>
      %dma_wait3A_12 = tpu.memref_slice %arg2[%mul3A_2] : memref<1024xi32, #tpu.memory_space<hbm>> -> memref<32xi32, #tpu.memory_space<hbm>>
      tpu.wait_dma2 semaphore(%run_scoped3A : memref<!tpu.dma_semaphore, #tpu.memory_space<semaphore_mem>>) src(%dma_wait3A_12 : memref<32xi32, #tpu.memory_space<hbm>>) dst(%arg7 : memref<32xi32, #tpu.memory_space<vmem>>)
      tpu.yield
    }) : () -> ()
    %dma_start3A = arith.constant 0 : i32
    %dma_start3A_3 = tpu.memref_slice %arg3[%dma_start3A] : memref<100000xf32, #tpu.memory_space<hbm>> -> memref<100000xf32, #tpu.memory_space<hbm>>
    tpu.enqueue_indirect_dma source(%dma_start3A_3 : memref<100000xf32, #tpu.memory_space<hbm>>) target(%arg8 : memref<32xf32, #tpu.memory_space<vmem>>) offsets(%arg7 : memref<32xi32, #tpu.memory_space<vmem>>) semaphore(%arg10 : memref<!tpu.dma_semaphore, #tpu.memory_space<semaphore_mem>>)
    %dma_start3A_4 = arith.constant 0 : i32
    %dma_start3A_5 = tpu.memref_slice %arg4[%dma_start3A_4] : memref<100000xf32, #tpu.memory_space<hbm>> -> memref<100000xf32, #tpu.memory_space<hbm>>
    tpu.enqueue_indirect_dma source(%dma_start3A_5 : memref<100000xf32, #tpu.memory_space<hbm>>) target(%arg9 : memref<32xf32, #tpu.memory_space<vmem>>) offsets(%arg7 : memref<32xi32, #tpu.memory_space<vmem>>) semaphore(%arg11 : memref<!tpu.dma_semaphore, #tpu.memory_space<semaphore_mem>>)
    %dma_wait3A = arith.constant 0 : i32
    %dma_wait3A_6 = tpu.memref_slice %arg3[%dma_wait3A] : memref<100000xf32, #tpu.memory_space<hbm>> -> memref<100000xf32, #tpu.memory_space<hbm>>
    tpu.wait_indirect_dma semaphore(%arg10 : memref<!tpu.dma_semaphore, #tpu.memory_space<semaphore_mem>>) src(%dma_wait3A_6 : memref<100000xf32, #tpu.memory_space<hbm>>) dst(%arg8 : memref<32xf32, #tpu.memory_space<vmem>>)
    %dma_wait3A_7 = arith.constant 0 : i32
    %dma_wait3A_8 = tpu.memref_slice %arg4[%dma_wait3A_7] : memref<100000xf32, #tpu.memory_space<hbm>> -> memref<100000xf32, #tpu.memory_space<hbm>>
    tpu.wait_indirect_dma semaphore(%arg11 : memref<!tpu.dma_semaphore, #tpu.memory_space<semaphore_mem>>) src(%dma_wait3A_8 : memref<100000xf32, #tpu.memory_space<hbm>>) dst(%arg9 : memref<32xf32, #tpu.memory_space<vmem>>)
    "tpu.region"() ({
      %run_scoped3A = tpu.sem_alloc : memref<!tpu.dma_semaphore, #tpu.memory_space<semaphore_mem>>
      %dma_start3A_9 = tpu.memref_slice %arg5[%mul3A_2] : memref<1024xf32, #tpu.memory_space<hbm>> -> memref<32xf32, #tpu.memory_space<hbm>>
      %dma_start3A_10 = tpu.memref_slice %arg5[%mul3A_2] : memref<1024xf32, #tpu.memory_space<hbm>> -> memref<32xf32, #tpu.memory_space<hbm>>
      tpu.enqueue_dma source(%arg8 : memref<32xf32, #tpu.memory_space<vmem>>) target(%dma_start3A_10 : memref<32xf32, #tpu.memory_space<hbm>>) target_semaphore(%run_scoped3A : memref<!tpu.dma_semaphore, #tpu.memory_space<semaphore_mem>>)
      %dma_wait3A_11 = tpu.memref_slice %arg5[%mul3A_2] : memref<1024xf32, #tpu.memory_space<hbm>> -> memref<32xf32, #tpu.memory_space<hbm>>
      %dma_wait3A_12 = tpu.memref_slice %arg5[%mul3A_2] : memref<1024xf32, #tpu.memory_space<hbm>> -> memref<32xf32, #tpu.memory_space<hbm>>
      tpu.wait_dma2 semaphore(%run_scoped3A : memref<!tpu.dma_semaphore, #tpu.memory_space<semaphore_mem>>) src(%arg8 : memref<32xf32, #tpu.memory_space<vmem>>) dst(%dma_wait3A_12 : memref<32xf32, #tpu.memory_space<hbm>>)
      tpu.yield
    }) : () -> ()
    "tpu.region"() ({
      %run_scoped3A = tpu.sem_alloc : memref<!tpu.dma_semaphore, #tpu.memory_space<semaphore_mem>>
      %dma_start3A_9 = tpu.memref_slice %arg6[%mul3A_2] : memref<1024xf32, #tpu.memory_space<hbm>> -> memref<32xf32, #tpu.memory_space<hbm>>
      %dma_start3A_10 = tpu.memref_slice %arg6[%mul3A_2] : memref<1024xf32, #tpu.memory_space<hbm>> -> memref<32xf32, #tpu.memory_space<hbm>>
      tpu.enqueue_dma source(%arg9 : memref<32xf32, #tpu.memory_space<vmem>>) target(%dma_start3A_10 : memref<32xf32, #tpu.memory_space<hbm>>) target_semaphore(%run_scoped3A : memref<!tpu.dma_semaphore, #tpu.memory_space<semaphore_mem>>)
      %dma_wait3A_11 = tpu.memref_slice %arg6[%mul3A_2] : memref<1024xf32, #tpu.memory_space<hbm>> -> memref<32xf32, #tpu.memory_space<hbm>>
      %dma_wait3A_12 = tpu.memref_slice %arg6[%mul3A_2] : memref<1024xf32, #tpu.memory_space<hbm>> -> memref<32xf32, #tpu.memory_space<hbm>>
      tpu.wait_dma2 semaphore(%run_scoped3A : memref<!tpu.dma_semaphore, #tpu.memory_space<semaphore_mem>>) src(%arg9 : memref<32xf32, #tpu.memory_space<vmem>>) dst(%dma_wait3A_12 : memref<32xf32, #tpu.memory_space<hbm>>)
      tpu.yield
    }) : () -> ()
    return
  }
}

module attributes {stable_mosaic.version = 14 : i64} {
  func.func @_combine_body(%arg0: memref<4x1024xf32, #tpu.memory_space<vmem>>, %arg1: memref<1024xf32, #tpu.memory_space<vmem>>, %arg2: memref<1024xf32, #tpu.memory_space<vmem>>, %arg3: memref<1x1xf32, #tpu.memory_space<smem>>) attributes {dimension_semantics = [], scalar_prefetch = 0 : i64, scratch_operands = 0 : i64, tpu.core_type = #tpu.core_type<tc>} {
    %get3A = arith.constant 0 : index
    %get3A_0 = arith.constant 0 : index
    %get3A_1 = vector.load %arg0[%get3A, %get3A_0] : memref<4x1024xf32, #tpu.memory_space<vmem>>, vector<4x1024xf32>
    %slice3A = vector.extract_strided_slice %get3A_1 {offsets = [0, 0], sizes = [1, 1024], strides = [1, 1]} : vector<4x1024xf32> to vector<1x1024xf32>
    %slice3A_2 = vector.extract_strided_slice %get3A_1 {offsets = [1, 0], sizes = [1, 1024], strides = [1, 1]} : vector<4x1024xf32> to vector<1x1024xf32>
    %slice3A_3 = vector.extract_strided_slice %get3A_1 {offsets = [2, 0], sizes = [1, 1024], strides = [1, 1]} : vector<4x1024xf32> to vector<1x1024xf32>
    %slice3A_4 = vector.extract_strided_slice %get3A_1 {offsets = [3, 0], sizes = [1, 1024], strides = [1, 1]} : vector<4x1024xf32> to vector<1x1024xf32>
    %get3A_5 = arith.constant 0 : index
    %get3A_6 = vector.load %arg1[%get3A_5] : memref<1024xf32, #tpu.memory_space<vmem>>, vector<1024xf32>
    %reshape3A = vector.shape_cast %get3A_6 : vector<1024xf32> to vector<1x1024xf32>
    %get3A_7 = arith.constant 0 : index
    %get3A_8 = vector.load %arg2[%get3A_7] : memref<1024xf32, #tpu.memory_space<vmem>>, vector<1024xf32>
    %reshape3A_9 = vector.shape_cast %get3A_8 : vector<1024xf32> to vector<1x1024xf32>
    %sub3A = arith.constant 1.000000e+00 : f32
    %sub3A_10 = arith.constant 0.899999976 : f32
    %sub3A_11 = arith.subf %sub3A, %sub3A_10 : f32
    %mul3A = vector.broadcast %sub3A_11 : f32 to vector<1x1024xf32>
    %mul3A_12 = arith.mulf %mul3A, %reshape3A : vector<1x1024xf32>
    %mul3A_13 = arith.constant 0.899999976 : f32
    %mul3A_14 = arith.constant 1.08506945E-4 : f32
    %mul3A_15 = arith.mulf %mul3A_13, %mul3A_14 : f32
    %mul3A_16 = vector.broadcast %mul3A_15 : f32 to vector<1x1024xf32>
    %mul3A_17 = arith.mulf %mul3A_16, %slice3A_3 : vector<1x1024xf32>
    %add3A = arith.addf %mul3A_12, %mul3A_17 : vector<1x1024xf32>
    %sub3A_18 = arith.constant 1.000000e+00 : f32
    %sub3A_19 = arith.constant 0.899999976 : f32
    %sub3A_20 = arith.subf %sub3A_18, %sub3A_19 : f32
    %mul3A_21 = vector.broadcast %sub3A_20 : f32 to vector<1x1024xf32>
    %mul3A_22 = arith.mulf %mul3A_21, %reshape3A_9 : vector<1x1024xf32>
    %mul3A_23 = arith.constant 0.899999976 : f32
    %mul3A_24 = arith.constant 1.08506945E-4 : f32
    %mul3A_25 = arith.mulf %mul3A_23, %mul3A_24 : f32
    %mul3A_26 = vector.broadcast %mul3A_25 : f32 to vector<1x1024xf32>
    %mul3A_27 = arith.mulf %mul3A_26, %slice3A_4 : vector<1x1024xf32>
    %add3A_28 = arith.addf %mul3A_22, %mul3A_27 : vector<1x1024xf32>
    %mul3A_29 = arith.mulf %add3A_28, %slice3A : vector<1x1024xf32>
    %mul3A_30 = arith.mulf %add3A, %slice3A_2 : vector<1x1024xf32>
    %sub3A_31 = arith.subf %mul3A_29, %mul3A_30 : vector<1x1024xf32>
    %mul3A_32 = arith.mulf %add3A, %add3A : vector<1x1024xf32>
    %div3A = arith.divf %sub3A_31, %mul3A_32 : vector<1x1024xf32>
    %reduce_sum3A = vector.shape_cast %div3A : vector<1x1024xf32> to vector<1x1x1024xf32>
    %reduce_sum3A_33 = arith.constant dense<0.000000e+00> : vector<1xf32>
    %reduce_sum3A_34 = vector.multi_reduction <add>, %reduce_sum3A, %reduce_sum3A_33 [1, 2] : vector<1x1x1024xf32> to vector<1xf32>
    %reduce_sum3A_35 = vector.shape_cast %reduce_sum3A_34 : vector<1xf32> to vector<1x1x1xf32>
    %reduce_sum3A_36 = vector.extract %reduce_sum3A_35[0, 0, 0] : f32 from vector<1x1x1xf32>
    %swap3A = arith.constant 0 : index
    %swap3A_37 = arith.constant 0 : index
    %swap3A_38 = memref.load %arg3[%swap3A, %swap3A_37] : memref<1x1xf32, #tpu.memory_space<smem>>
    memref.store %reduce_sum3A_36, %arg3[%swap3A, %swap3A_37] : memref<1x1xf32, #tpu.memory_space<smem>>
    return
  }
}

module attributes {stable_mosaic.version = 14 : i64} {
  func.func @_dense_body(%arg0: memref<1024xf32, #tpu.memory_space<vmem>>, %arg1: memref<8192xf32, #tpu.memory_space<vmem>>, %arg2: memref<1024xi32, #tpu.memory_space<vmem>>, %arg3: memref<4x1024xf32, #tpu.memory_space<vmem>>) attributes {dimension_semantics = [], scalar_prefetch = 0 : i64, scratch_operands = 0 : i64, tpu.core_type = #tpu.core_type<tc>} {
    %get3A = arith.constant 0 : index
    %get3A_0 = vector.load %arg0[%get3A] : memref<1024xf32, #tpu.memory_space<vmem>>, vector<1024xf32>
    %reshape3A = vector.shape_cast %get3A_0 : vector<1024xf32> to vector<1x1024xf32>
    %transpose3A = tpu.transpose %reshape3A, [1, 0] : vector<1x1024xf32> -> vector<1024x1xf32>
    %sub3A = arith.constant 1.000000e+00 : f32
    %sub3A_1 = vector.broadcast %sub3A : f32 to vector<1024x1xf32>
    %sub3A_2 = arith.subf %sub3A_1, %transpose3A : vector<1024x1xf32>
    %add3A = vector.broadcast %sub3A_2 : vector<1024x1xf32> to vector<1024x1024xf32>
    %add3A_3 = vector.broadcast %reshape3A : vector<1x1024xf32> to vector<1024x1024xf32>
    %add3A_4 = arith.addf %add3A, %add3A_3 : vector<1024x1024xf32>
    %max3A = arith.constant 0.000000e+00 : f32
    %max3A_5 = vector.broadcast %max3A : f32 to vector<1024x1024xf32>
    %max3A_6 = arith.maximumf %add3A_4, %max3A_5 : vector<1024x1024xf32>
    %mul3A = arith.mulf %max3A_6, %max3A_6 : vector<1024x1024xf32>
    %reduce_sum3A = arith.constant dense<0.000000e+00> : vector<1024xf32>
    %reduce_sum3A_7 = vector.multi_reduction <add>, %mul3A, %reduce_sum3A [1] : vector<1024x1024xf32> to vector<1024xf32>
    %broadcast_in_dim3A = vector.shape_cast %reduce_sum3A_7 : vector<1024xf32> to vector<1024x1xf32>
    %get3A_8 = arith.constant 0 : index
    %get3A_9 = vector.load %arg1[%get3A_8] : memref<8192xf32, #tpu.memory_space<vmem>>, vector<8192xf32>
    %reshape3A_10 = vector.shape_cast %get3A_9 : vector<8192xf32> to vector<1x8192xf32>
    %slice3A = vector.extract_strided_slice %reshape3A_10 {offsets = [0, 0], sizes = [1, 1024], strides = [1, 1]} : vector<1x8192xf32> to vector<1x1024xf32>
    %add3A_11 = vector.broadcast %sub3A_2 : vector<1024x1xf32> to vector<1024x1024xf32>
    %add3A_12 = vector.broadcast %slice3A : vector<1x1024xf32> to vector<1024x1024xf32>
    %add3A_13 = arith.addf %add3A_11, %add3A_12 : vector<1024x1024xf32>
    %max3A_14 = arith.constant 0.000000e+00 : f32
    %max3A_15 = vector.broadcast %max3A_14 : f32 to vector<1024x1024xf32>
    %max3A_16 = arith.maximumf %add3A_13, %max3A_15 : vector<1024x1024xf32>
    %mul3A_17 = arith.mulf %max3A_16, %max3A_16 : vector<1024x1024xf32>
    %reduce_sum3A_18 = arith.constant dense<0.000000e+00> : vector<1024xf32>
    %reduce_sum3A_19 = vector.multi_reduction <add>, %mul3A_17, %reduce_sum3A_18 [1] : vector<1024x1024xf32> to vector<1024xf32>
    %broadcast_in_dim3A_20 = vector.shape_cast %reduce_sum3A_19 : vector<1024xf32> to vector<1024x1xf32>
    %add3A_21 = arith.addf %broadcast_in_dim3A, %broadcast_in_dim3A_20 : vector<1024x1xf32>
    %get3A_22 = arith.constant 0 : index
    %get3A_23 = vector.load %arg1[%get3A_22] : memref<8192xf32, #tpu.memory_space<vmem>>, vector<8192xf32>
    %reshape3A_24 = vector.shape_cast %get3A_23 : vector<8192xf32> to vector<1x8192xf32>
    %slice3A_25 = vector.extract_strided_slice %reshape3A_24 {offsets = [0, 1024], sizes = [1, 1024], strides = [1, 1]} : vector<1x8192xf32> to vector<1x1024xf32>
    %add3A_26 = vector.broadcast %sub3A_2 : vector<1024x1xf32> to vector<1024x1024xf32>
    %add3A_27 = vector.broadcast %slice3A_25 : vector<1x1024xf32> to vector<1024x1024xf32>
    %add3A_28 = arith.addf %add3A_26, %add3A_27 : vector<1024x1024xf32>
    %max3A_29 = arith.constant 0.000000e+00 : f32
    %max3A_30 = vector.broadcast %max3A_29 : f32 to vector<1024x1024xf32>
    %max3A_31 = arith.maximumf %add3A_28, %max3A_30 : vector<1024x1024xf32>
    %mul3A_32 = arith.mulf %max3A_31, %max3A_31 : vector<1024x1024xf32>
    %reduce_sum3A_33 = arith.constant dense<0.000000e+00> : vector<1024xf32>
    %reduce_sum3A_34 = vector.multi_reduction <add>, %mul3A_32, %reduce_sum3A_33 [1] : vector<1024x1024xf32> to vector<1024xf32>
    %broadcast_in_dim3A_35 = vector.shape_cast %reduce_sum3A_34 : vector<1024xf32> to vector<1024x1xf32>
    %add3A_36 = arith.addf %add3A_21, %broadcast_in_dim3A_35 : vector<1024x1xf32>
    %get3A_37 = arith.constant 0 : index
    %get3A_38 = vector.load %arg1[%get3A_37] : memref<8192xf32, #tpu.memory_space<vmem>>, vector<8192xf32>
    %reshape3A_39 = vector.shape_cast %get3A_38 : vector<8192xf32> to vector<1x8192xf32>
    %slice3A_40 = vector.extract_strided_slice %reshape3A_39 {offsets = [0, 2048], sizes = [1, 1024], strides = [1, 1]} : vector<1x8192xf32> to vector<1x1024xf32>
    %add3A_41 = vector.broadcast %sub3A_2 : vector<1024x1xf32> to vector<1024x1024xf32>
    %add3A_42 = vector.broadcast %slice3A_40 : vector<1x1024xf32> to vector<1024x1024xf32>
    %add3A_43 = arith.addf %add3A_41, %add3A_42 : vector<1024x1024xf32>
    %max3A_44 = arith.constant 0.000000e+00 : f32
    %max3A_45 = vector.broadcast %max3A_44 : f32 to vector<1024x1024xf32>
    %max3A_46 = arith.maximumf %add3A_43, %max3A_45 : vector<1024x1024xf32>
    %mul3A_47 = arith.mulf %max3A_46, %max3A_46 : vector<1024x1024xf32>
    %reduce_sum3A_48 = arith.constant dense<0.000000e+00> : vector<1024xf32>
    %reduce_sum3A_49 = vector.multi_reduction <add>, %mul3A_47, %reduce_sum3A_48 [1] : vector<1024x1024xf32> to vector<1024xf32>
    %broadcast_in_dim3A_50 = vector.shape_cast %reduce_sum3A_49 : vector<1024xf32> to vector<1024x1xf32>
    %add3A_51 = arith.addf %add3A_36, %broadcast_in_dim3A_50 : vector<1024x1xf32>
    %get3A_52 = arith.constant 0 : index
    %get3A_53 = vector.load %arg1[%get3A_52] : memref<8192xf32, #tpu.memory_space<vmem>>, vector<8192xf32>
    %reshape3A_54 = vector.shape_cast %get3A_53 : vector<8192xf32> to vector<1x8192xf32>
    %slice3A_55 = vector.extract_strided_slice %reshape3A_54 {offsets = [0, 3072], sizes = [1, 1024], strides = [1, 1]} : vector<1x8192xf32> to vector<1x1024xf32>
    %add3A_56 = vector.broadcast %sub3A_2 : vector<1024x1xf32> to vector<1024x1024xf32>
    %add3A_57 = vector.broadcast %slice3A_55 : vector<1x1024xf32> to vector<1024x1024xf32>
    %add3A_58 = arith.addf %add3A_56, %add3A_57 : vector<1024x1024xf32>
    %max3A_59 = arith.constant 0.000000e+00 : f32
    %max3A_60 = vector.broadcast %max3A_59 : f32 to vector<1024x1024xf32>
    %max3A_61 = arith.maximumf %add3A_58, %max3A_60 : vector<1024x1024xf32>
    %mul3A_62 = arith.mulf %max3A_61, %max3A_61 : vector<1024x1024xf32>
    %reduce_sum3A_63 = arith.constant dense<0.000000e+00> : vector<1024xf32>
    %reduce_sum3A_64 = vector.multi_reduction <add>, %mul3A_62, %reduce_sum3A_63 [1] : vector<1024x1024xf32> to vector<1024xf32>
    %broadcast_in_dim3A_65 = vector.shape_cast %reduce_sum3A_64 : vector<1024xf32> to vector<1024x1xf32>
    %add3A_66 = arith.addf %add3A_51, %broadcast_in_dim3A_65 : vector<1024x1xf32>
    %get3A_67 = arith.constant 0 : index
    %get3A_68 = vector.load %arg1[%get3A_67] : memref<8192xf32, #tpu.memory_space<vmem>>, vector<8192xf32>
    %reshape3A_69 = vector.shape_cast %get3A_68 : vector<8192xf32> to vector<1x8192xf32>
    %slice3A_70 = vector.extract_strided_slice %reshape3A_69 {offsets = [0, 4096], sizes = [1, 1024], strides = [1, 1]} : vector<1x8192xf32> to vector<1x1024xf32>
    %add3A_71 = vector.broadcast %sub3A_2 : vector<1024x1xf32> to vector<1024x1024xf32>
    %add3A_72 = vector.broadcast %slice3A_70 : vector<1x1024xf32> to vector<1024x1024xf32>
    %add3A_73 = arith.addf %add3A_71, %add3A_72 : vector<1024x1024xf32>
    %max3A_74 = arith.constant 0.000000e+00 : f32
    %max3A_75 = vector.broadcast %max3A_74 : f32 to vector<1024x1024xf32>
    %max3A_76 = arith.maximumf %add3A_73, %max3A_75 : vector<1024x1024xf32>
    %mul3A_77 = arith.mulf %max3A_76, %max3A_76 : vector<1024x1024xf32>
    %reduce_sum3A_78 = arith.constant dense<0.000000e+00> : vector<1024xf32>
    %reduce_sum3A_79 = vector.multi_reduction <add>, %mul3A_77, %reduce_sum3A_78 [1] : vector<1024x1024xf32> to vector<1024xf32>
    %broadcast_in_dim3A_80 = vector.shape_cast %reduce_sum3A_79 : vector<1024xf32> to vector<1024x1xf32>
    %add3A_81 = arith.addf %add3A_66, %broadcast_in_dim3A_80 : vector<1024x1xf32>
    %get3A_82 = arith.constant 0 : index
    %get3A_83 = vector.load %arg1[%get3A_82] : memref<8192xf32, #tpu.memory_space<vmem>>, vector<8192xf32>
    %reshape3A_84 = vector.shape_cast %get3A_83 : vector<8192xf32> to vector<1x8192xf32>
    %slice3A_85 = vector.extract_strided_slice %reshape3A_84 {offsets = [0, 5120], sizes = [1, 1024], strides = [1, 1]} : vector<1x8192xf32> to vector<1x1024xf32>
    %add3A_86 = vector.broadcast %sub3A_2 : vector<1024x1xf32> to vector<1024x1024xf32>
    %add3A_87 = vector.broadcast %slice3A_85 : vector<1x1024xf32> to vector<1024x1024xf32>
    %add3A_88 = arith.addf %add3A_86, %add3A_87 : vector<1024x1024xf32>
    %max3A_89 = arith.constant 0.000000e+00 : f32
    %max3A_90 = vector.broadcast %max3A_89 : f32 to vector<1024x1024xf32>
    %max3A_91 = arith.maximumf %add3A_88, %max3A_90 : vector<1024x1024xf32>
    %mul3A_92 = arith.mulf %max3A_91, %max3A_91 : vector<1024x1024xf32>
    %reduce_sum3A_93 = arith.constant dense<0.000000e+00> : vector<1024xf32>
    %reduce_sum3A_94 = vector.multi_reduction <add>, %mul3A_92, %reduce_sum3A_93 [1] : vector<1024x1024xf32> to vector<1024xf32>
    %broadcast_in_dim3A_95 = vector.shape_cast %reduce_sum3A_94 : vector<1024xf32> to vector<1024x1xf32>
    %add3A_96 = arith.addf %add3A_81, %broadcast_in_dim3A_95 : vector<1024x1xf32>
    %get3A_97 = arith.constant 0 : index
    %get3A_98 = vector.load %arg1[%get3A_97] : memref<8192xf32, #tpu.memory_space<vmem>>, vector<8192xf32>
    %reshape3A_99 = vector.shape_cast %get3A_98 : vector<8192xf32> to vector<1x8192xf32>
    %slice3A_100 = vector.extract_strided_slice %reshape3A_99 {offsets = [0, 6144], sizes = [1, 1024], strides = [1, 1]} : vector<1x8192xf32> to vector<1x1024xf32>
    %add3A_101 = vector.broadcast %sub3A_2 : vector<1024x1xf32> to vector<1024x1024xf32>
    %add3A_102 = vector.broadcast %slice3A_100 : vector<1x1024xf32> to vector<1024x1024xf32>
    %add3A_103 = arith.addf %add3A_101, %add3A_102 : vector<1024x1024xf32>
    %max3A_104 = arith.constant 0.000000e+00 : f32
    %max3A_105 = vector.broadcast %max3A_104 : f32 to vector<1024x1024xf32>
    %max3A_106 = arith.maximumf %add3A_103, %max3A_105 : vector<1024x1024xf32>
    %mul3A_107 = arith.mulf %max3A_106, %max3A_106 : vector<1024x1024xf32>
    %reduce_sum3A_108 = arith.constant dense<0.000000e+00> : vector<1024xf32>
    %reduce_sum3A_109 = vector.multi_reduction <add>, %mul3A_107, %reduce_sum3A_108 [1] : vector<1024x1024xf32> to vector<1024xf32>
    %broadcast_in_dim3A_110 = vector.shape_cast %reduce_sum3A_109 : vector<1024xf32> to vector<1024x1xf32>
    %add3A_111 = arith.addf %add3A_96, %broadcast_in_dim3A_110 : vector<1024x1xf32>
    %get3A_112 = arith.constant 0 : index
    %get3A_113 = vector.load %arg1[%get3A_112] : memref<8192xf32, #tpu.memory_space<vmem>>, vector<8192xf32>
    %reshape3A_114 = vector.shape_cast %get3A_113 : vector<8192xf32> to vector<1x8192xf32>
    %slice3A_115 = vector.extract_strided_slice %reshape3A_114 {offsets = [0, 7168], sizes = [1, 1024], strides = [1, 1]} : vector<1x8192xf32> to vector<1x1024xf32>
    %add3A_116 = vector.broadcast %sub3A_2 : vector<1024x1xf32> to vector<1024x1024xf32>
    %add3A_117 = vector.broadcast %slice3A_115 : vector<1x1024xf32> to vector<1024x1024xf32>
    %add3A_118 = arith.addf %add3A_116, %add3A_117 : vector<1024x1024xf32>
    %max3A_119 = arith.constant 0.000000e+00 : f32
    %max3A_120 = vector.broadcast %max3A_119 : f32 to vector<1024x1024xf32>
    %max3A_121 = arith.maximumf %add3A_118, %max3A_120 : vector<1024x1024xf32>
    %mul3A_122 = arith.mulf %max3A_121, %max3A_121 : vector<1024x1024xf32>
    %reduce_sum3A_123 = arith.constant dense<0.000000e+00> : vector<1024xf32>
    %reduce_sum3A_124 = vector.multi_reduction <add>, %mul3A_122, %reduce_sum3A_123 [1] : vector<1024x1024xf32> to vector<1024xf32>
    %broadcast_in_dim3A_125 = vector.shape_cast %reduce_sum3A_124 : vector<1024xf32> to vector<1024x1xf32>
    %add3A_126 = arith.addf %add3A_111, %broadcast_in_dim3A_125 : vector<1024x1xf32>
    %get3A_127 = arith.constant 0 : index
    %get3A_128 = vector.load %arg2[%get3A_127] : memref<1024xi32, #tpu.memory_space<vmem>>, vector<1024xi32>
    %reshape3A_129 = vector.shape_cast %get3A_128 : vector<1024xi32> to vector<1x1024xi32>
    %transpose3A_130 = tpu.transpose %reshape3A_129, [1, 0] : vector<1x1024xi32> -> vector<1024x1xi32>
    %eq3A = vector.broadcast %transpose3A_130 : vector<1024x1xi32> to vector<1024x1024xi32>
    %eq3A_131 = vector.broadcast %reshape3A_129 : vector<1x1024xi32> to vector<1024x1024xi32>
    %eq3A_132 = arith.cmpi eq, %eq3A, %eq3A_131 : vector<1024x1024xi32>
    %iota3A = tpu.iota {dimensions = array<i32: 0>} : vector<1024x1024xi32>
    %jit3A = arith.constant -1 : i32
    %broadcast_in_dim3A_133 = vector.broadcast %jit3A : i32 to vector<1024x1024xi32>
    %select_n3A = arith.select %eq3A_132, %iota3A, %broadcast_in_dim3A_133 : vector<1024x1024xi1>, vector<1024x1024xi32>
    %reduce_max3A = arith.constant dense<-2147483648> : vector<1024xi32>
    %reduce_max3A_134 = vector.multi_reduction <maxsi>, %select_n3A, %reduce_max3A [0] : vector<1024x1024xi32> to vector<1024xi32>
    %broadcast_in_dim3A_135 = vector.shape_cast %reduce_max3A_134 : vector<1024xi32> to vector<1x1024xi32>
    %eq3A_136 = vector.broadcast %broadcast_in_dim3A_135 : vector<1x1024xi32> to vector<1024x1024xi32>
    %eq3A_137 = arith.cmpi eq, %select_n3A, %eq3A_136 : vector<1024x1024xi32>
    %convert_element_type3A = arith.extui %eq3A_137 : vector<1024x1024xi1> to vector<1024x1024xi32>
    %convert_element_type3A_138 = arith.sitofp %convert_element_type3A : vector<1024x1024xi32> to vector<1024x1024xf32>
    %mul3A_139 = vector.broadcast %add3A_126 : vector<1024x1xf32> to vector<1024x1024xf32>
    %mul3A_140 = arith.mulf %convert_element_type3A_138, %mul3A_139 : vector<1024x1024xf32>
    %reduce_sum3A_141 = arith.constant dense<0.000000e+00> : vector<1024xf32>
    %reduce_sum3A_142 = vector.multi_reduction <add>, %mul3A_140, %reduce_sum3A_141 [0] : vector<1024x1024xf32> to vector<1024xf32>
    %broadcast_in_dim3A_143 = vector.shape_cast %reduce_sum3A_142 : vector<1024xf32> to vector<1x1024xf32>
    %mul3A_144 = vector.broadcast %broadcast_in_dim3A : vector<1024x1xf32> to vector<1024x1024xf32>
    %mul3A_145 = arith.mulf %convert_element_type3A_138, %mul3A_144 : vector<1024x1024xf32>
    %reduce_sum3A_146 = arith.constant dense<0.000000e+00> : vector<1024xf32>
    %reduce_sum3A_147 = vector.multi_reduction <add>, %mul3A_145, %reduce_sum3A_146 [0] : vector<1024x1024xf32> to vector<1024xf32>
    %broadcast_in_dim3A_148 = vector.shape_cast %reduce_sum3A_147 : vector<1024xf32> to vector<1x1024xf32>
    %transpose3A_149 = tpu.transpose %add3A_126, [1, 0] : vector<1024x1xf32> -> vector<1x1024xf32>
    %transpose3A_150 = tpu.transpose %broadcast_in_dim3A, [1, 0] : vector<1024x1xf32> -> vector<1x1024xf32>
    %concatenate3A = tpu.concatenate %transpose3A_149, %transpose3A_150, %broadcast_in_dim3A_143, %broadcast_in_dim3A_148 in 0 : vector<1x1024xf32>, vector<1x1024xf32>, vector<1x1024xf32>, vector<1x1024xf32> -> vector<4x1024xf32>
    %swap3A = arith.constant 0 : index
    %swap3A_151 = arith.constant 0 : index
    %swap3A_152 = vector.load %arg3[%swap3A, %swap3A_151] : memref<4x1024xf32, #tpu.memory_space<vmem>>, vector<4x1024xf32>
    tpu.vector_store %arg3[%swap3A, %swap3A_151], %concatenate3A {strides = array<i32>} : memref<4x1024xf32, #tpu.memory_space<vmem>>, vector<4x1024xf32>,
    return
  }
}

</mosaic_0001>

<sc_bundles>
// kernel: kernel.5.cloned.1.call-start
scs
__scs_entry_jumppad:
0x0: {  	(pc) =	sbr.rel $0x88, $3  }
0x1: {  	(tag) =	ssettag $0x0;
	lr =	simm.s32 $0x1  }
0x2: {  	[smem:$0x3F9C] =	sst lr;
	_ =	strace $0xD0000000  }
0x3: {  	_ = 	snop  }
0x4: {  	_ = 	snop  }
0x5: {  	_ = 	snop  }
0x6: {  	_ = 	snop  }
0x7: {  	_ = 	snop  }
__scs_overlays_trampoline_lowered:
0x8: {  	[smem:$0x3FAB] =	sst s0  }
0x9: {  	[smem:$0x3FAC] =	sst s1  }
0xa: {  	[smem:$0x3FAD] =	sst s2  }
0xb: {  	[smem:$0x3FAE] =	sst s3  }
0xc: {  	[smem:$0x3FAF] =	sst s4  }
0xd: {  	[smem:$0x3FB0] =	sst s5  }
0xe: {  	[smem:$0x3FB1] =	sst s6  }
0xf: {  	[smem:$0x3FB2] =	sst s7  }
0x10: {  	[smem:$0x3FB3] =	sst s8  }
0x11: {  	[smem:$0x3FB4] =	sst s9;
	s0 =	simm.s32 @!p0 $0x0  }
0x12: {  	s1 =	sld [smem:$0x3F9A];
	s0 =	simm.s32 @p0 $0x1  }
0x13: {  	[smem:$0x3FB5] =	sst s0;
	s0 =	simm.s32 @!p1 $0x0  }
0x14: {  	s2 =	sld [smem:$0x3F99];
	s0 =	simm.s32 @p1 $0x1  }
0x15: {  	[smem:$0x3FB6] =	sst s0;
	s0 =	simm.s32 @!p2 $0x0  }
0x16: {  	s3 =	sld [smem:$0x3FDB];
	s0 =	simm.s32 @p2 $0x1  }
0x17: {  	s4 =	simm.s32 $0x1BF5;
	[smem:$0x3FB8] =	sst s0  }
0x18: {  	s0 =	sld [smem:$0x3F9B];
	_ =	swait.ge [sflag:s4], $0x0  }
0x19: {  	s7 =	sld [smem:$0x3F9C]  }
0x1a: {  	s8 =	sadd.s32 $0xFFFFE003, lr  }
0x1b: {  	s9 =	sadd.s32 $0xFFFFFEF7, lr;
	s5 =	simm.s32 $0xFFFFFFFF;
	p2 =	slt.u32 s8, $0xFFFFF086  }
0x1c: {  	p1 =	slt.u32 s9, $0xF7A;
	s5 =	simm.s32 @!p2 $0x0  }
0x1d: {  	s5 =	simm.s32 @p1 $0x1;
	p0 =	seq.s32 s7, s2  }
0x1e: {  	s7 =	smul.u32 @!p0 $0xF7A, s2;
	p2 =	seq.s32 @!p0 s5, $0x0  }
0x1f: {  	s9 =	smul.u32 $0xF7A, s1;
	s8 =	simm.s32 @!p0 $0x1BF5;
	p2 =	por !p2, p0  }
0x20: {  	[sflag:s8] =	ssyncset.s32 @!p0 $0xFFFFF086;
	s6 =	sadd.s32 @!p0 s3, s7;
	s7 =	simm.s32 @!p0 $0x108  }
0x21: {  	s3 =	sadd.s32 s3, s9;
	s6 =	sadd.s32 @!p0 $0x88, s6;
	s7 =	simm.s32 @p2 $0x1082  }
0x22: {  	[simem:s7], [sflag:s8] =	dma.local @!p0 [hbm:s6], $0xF7A  }
0x23: {  	s9 =	sor.u32 $0xD0000000, s2;
	s6 =	simm.s32 $0x108;
	_ =	swait.ge @!p0 [sflag:s8], $0x0  }
0x24: {  	s3 =	sadd.s32 $0x88, s3;
	s6 =	simm.s32 @!p1 $0x1082;
	[sflag:s4] =	ssyncset.s32 $0xFFFFF086  }
0x25: {  	[simem:s6], [sflag:s4] =	dma.local [hbm:s3], $0xF7A  }
0x26: {  	[smem:$0x3F9C] =	sst s1;
	(tag) =	ssettag s2;
	_ =	strace s9  }
0x27: {  	s1 =	sld [smem:$0x3FAC]  }
0x28: {  	s2 =	sld [smem:$0x3FAD]  }
0x29: {  	s4 =	sld [smem:$0x3FAF]  }
0x2a: {  	p0 =	seq.s32 s5, $0x0;
	s5 =	sld [smem:$0x3FB0]  }
0x2b: {  	s6 =	sld [smem:$0x3FB1]  }
0x2c: {  	s7 =	sld [smem:$0x3FB2]  }
0x2d: {  	s3 =	simm.s32 $0x108;
	s8 =	sld [smem:$0x3FB3]  }
0x2e: {  	s3 =	simm.s32 @!p0 $0x1082;
	s9 =	sld [smem:$0x3FB4]  }
0x2f: {  	lr =	sadd.s32 s0, s3;
	s0 =	sld [smem:$0x3FAB]  }
0x30: {  	s3 =	sld [smem:$0x3FAE]  }
0x31: {  	[smem:$0x3FB7] =	sst s10  }
0x32: {  	s10 =	sld [smem:$0x3FB5];
	_ =	sdelay $0x3  }
0x33: {  	p0 =	seq.s32 s10, $0x1;
	s10 =	sld [smem:$0x3FB7];
	_ =	sdelay $0x3  }
0x34: {  	[smem:$0x3FB7] =	sst s10  }
0x35: {  	s10 =	sld [smem:$0x3FB6];
	_ =	sdelay $0x3  }
0x36: {  	p1 =	seq.s32 s10, $0x1;
	s10 =	sld [smem:$0x3FB7];
	_ =	sdelay $0x3  }
0x37: {  	[smem:$0x3FB7] =	sst s10  }
0x38: {  	s10 =	sld [smem:$0x3FB8]  }
0x39: {  	_ = 	snop;
	(pc) =	sbr.ind lr, $3  }
0x3a: {  	_ = 	snop  }
0x3b: {  	_ = 	snop  }
0x3c: {  	p2 =	seq.s32 s10, $0x1;
	s10 =	sld [smem:$0x3FB7]  }
0x3d: {  	_ =	shalt  }
0x3e: {  	_ =	shalt  }
0x3f: {  	_ =	shalt  }
0x40: {  	_ =	shalt  }
0x41: {  	_ =	shalt  }
0x42: {  	_ =	shalt  }
0x43: {  	_ =	shalt  }
0x44: {  	_ =	shalt  }
0x45: {  	_ =	shalt  }
0x46: {  	_ =	shalt  }
0x47: {  	_ =	shalt  }
0x48: {  	_ =	shalt  }
0x49: {  	_ =	shalt  }
0x4a: {  	_ =	shalt  }
0x4b: {  	_ =	shalt  }
0x4c: {  	_ =	shalt  }
0x4d: {  	_ =	shalt  }
0x4e: {  	_ =	shalt  }
0x4f: {  	_ =	shalt  }
0x50: {  	_ =	shalt  }
0x51: {  	_ =	shalt  }
0x52: {  	_ =	shalt  }
0x53: {  	_ =	shalt  }
0x54: {  	_ =	shalt  }
0x55: {  	_ =	shalt  }
0x56: {  	_ =	shalt  }
0x57: {  	_ =	shalt  }
0x58: {  	_ =	shalt  }
0x59: {  	_ =	shalt  }
0x5a: {  	_ =	shalt  }
0x5b: {  	_ =	shalt  }
0x5c: {  	_ =	shalt  }
0x5d: {  	_ =	shalt  }
0x5e: {  	_ =	shalt  }
0x5f: {  	_ =	shalt  }
0x60: {  	_ =	shalt  }
0x61: {  	_ =	shalt  }
0x62: {  	_ =	shalt  }
0x63: {  	_ =	shalt  }
0x64: {  	_ =	shalt  }
0x65: {  	_ =	shalt  }
0x66: {  	_ =	shalt  }
0x67: {  	_ =	shalt  }
0x68: {  	_ =	shalt  }
0x69: {  	_ =	shalt  }
0x6a: {  	_ =	shalt  }
0x6b: {  	_ =	shalt  }
0x6c: {  	_ =	shalt  }
0x6d: {  	_ =	shalt  }
0x6e: {  	_ =	shalt  }
0x6f: {  	_ =	shalt  }
0x70: {  	_ =	shalt  }
0x71: {  	_ =	shalt  }
0x72: {  	_ =	shalt  }
0x73: {  	_ =	shalt  }
0x74: {  	_ =	shalt  }
0x75: {  	_ =	shalt  }
0x76: {  	_ =	shalt  }
0x77: {  	_ =	shalt  }
0x78: {  	_ =	shalt  }
0x79: {  	_ =	shalt  }
0x7a: {  	_ =	shalt  }
0x7b: {  	_ =	shalt  }
0x7c: {  	_ =	shalt  }
0x7d: {  	_ =	shalt  }
0x7e: {  	_ =	shalt  }
0x7f: {  	_ =	shalt  }
0x80: {  	_ =	shalt  }
0x81: {  	_ =	shalt  }
0x82: {  	_ =	shalt  }
0x83: {  	_ =	shalt  }
0x84: {  	_ =	shalt  }
0x85: {  	_ =	shalt  }
0x86: {  	_ =	shalt  }
0x87: {  	_ =	shalt  }
.Lfunc_end0:
.L_simem_size_0:
called_computation_lowered:
.L_overlay_start_0:
0x88: {  	s2 =	sld [smem:$0x3FD9]  }
0x89: {  	s3 =	sld [smem:$0x3FFE];
	_ =	sdelay $0x1  }
0x8a: {  	s1 =	srdreg.scid  }
0x8b: {  	s0 =	sand.u32 $0x1, s1  }
0x8c: {  	s17 =	sshll.u32 s0, $0xA;
	s2 =	sadd.s32 s3, s2  }
0x8d: {  	s2 =	sadd.s32 s2, s17  }
0x8e: {  	[smem:$0x3FC3] =	sst s2  }
0x8f: {  	_ = 	snop  }
0x90: {  	s2 =	sld [smem:$0x3FC7];
	(tm) =	ssettm $0x1  }
0x91: {  	s18 =	sld [smem:$0x3FFB];
	_ =	sdelay $0x3  }
0x92: {  	_ =	strace s18  }
0x93: {  	s3 =	sld [smem:$0x3FFC];
	_ =	sdelay $0x3  }
0x94: {  	_ =	strace s3  }
0x95: {  	s3 =	sld [smem:$0x3FFD];
	_ =	sdelay $0x3  }
0x96: {  	_ =	strace s3  }
0x97: {  	_ =	strace $0x8FFFFFFF  }
0x98: {  	s19 =	sld [smem:$0x3FDB];
	_ =	sdelay $0x1  }
0x99: {  	s4 =	simm.s32 $_scs_section_size  }
0x9a: {  	s5 =	simm.s32 $_size__tile_overlayer_lowered;
	s6 =	simm.s32 $_tile_overlayer_lowered  }
0x9b: {  	s22 =	simm.s32 $0x1BFF;
	s21 =	sshll.u32 s6, $0x1;
	s3 =	sadd.s32 s4, s19  }
0x9c: {  	s7 =	simm.s32 $0x0;
	s20 =	sshll.u32 s5, $0x1;
	s5 =	sadd.s32 s21, s3  }
0x9d: {  	[timem:s7], [sflag:s22] =	dma.local [hbm:s5], s20  }
0x9e: {  	_ =	swait.ge [sflag:s22], s20  }
0x9f: {  	s4 =	ssub.s32 $0x0, s20;
	[sflag:s22] =	ssyncset.done $0x0  }
0xa0: {  	[sflag:s22] =	ssyncadd.s32 s4;
	_ =	sdelay $0x1  }
0xa1: {  	s23 =	simm.s32 $0x1B8B  }
0xa2: {  	_ =	swait.ge [sflag:s23], $0x1  }
0xa3: {  	[sflag:s23] =	ssyncset.done $0x0  }
0xa4: {  	s25 =	simm.s32 $0x1B8E;
	s24 =	sld [smem:$0x3FFE];
	[sflag:s23] =	ssyncadd.s32 $0xFFFFFFFF  }
0xa5: {  	s26 =	simm.s32 $execute0_lowered;
	[smem:$0x3FD2] =	sst s25  }
0xa6: {  	s5 =	sshll.u32 s26, $0x1;
	_ =	strace $0x80000046;
	[dreg:$0x1] =	wrdreg $0xFFFFFFFF  }
0xa7: {  	s28 =	simm.s32 $_size_execute0_lowered;
	s3 =	sadd.s32 s3, s5;
	[dreg:$0x0] =	wrdreg $0x0  }
0xa8: {  	s5 =	sshll.u32 s28, $0x1;
	[dreg:$0x2] =	wrdreg s3  }
0xa9: {  	[dreg:$0x3] =	wrdreg s5  }
0xaa: {  	[dreg:$0x4] =	wrdreg $0xC0  }
0xab: {  	_ =	task [dreg:s7], $0x5FFFF  }
0xac: {  	[dreg:$0x1] =	wrdreg $0xFFFFFFFF  }
0xad: {  	[dreg:$0x0] =	wrdreg $0x60  }
0xae: {  	[dreg:$0x2] =	wrdreg s2  }
0xaf: {  	[dreg:$0x3] =	wrdreg s24  }
0xb0: {  	[dreg:$0x4] =	wrdreg $0x9  }
0xb1: {  	_ =	task.clear_ibuf [dreg:s7], $0x5FFFF;
	_ =	strace $0x90000046  }
0xb2: {  	s29 =	simm.s32 $0x9;
	_ =	strace $0x80000048  }
0xb3: {  	_ =	swait.ge [sflag:s29], $0x1  }
0xb4: {  	[sflag:s29] =	ssyncadd.s32 $0xFFFFFFFF  }
0xb5: {  	_ =	strace $0x90000048  }
0xb6: {  	_ =	sfence  }
0xb7: {  	s30 =	sld [smem:$0x0];
	_ =	sdelay $0x2  }
0xb8: {  	s31 =	sshll.u32 s1, $0xD;
	s1 =	sshrl.u32 s1, $0x2  }
0xb9: {  	s3 =	sand.u32 $0x4000, s31;
	s1 =	sadd.s32 s1, s30  }
0xba: {  	s0 =	sor.u32 s3, s0;
	s1 =	sshll.u32 s1, $0x11  }
0xbb: {  	s0 =	sor.u32 s1, s0  }
0xbc: {  	s0 =	sadd.s32 $0x8F2B, s0  }
0xbd: {  	[sflag:s0] =	ssyncadd.remote.s32 $0x1  }
0xbe: {  	_ =	sfence.sel $0xFFFF  }
0xbf: {  	[dreg:$0x0] =	wrdreg $0xFFFFFFFF;
	(pc) =	sbr.abs _section_cstart, $3  }
0xc0: {  	[dreg:$0x1] =	wrdreg $0xFFFFFFFF  }
0xc1: {  	_ =	task.clear_ibuf [dreg:s7], $0x2FFFF;
	_ =	strace $0x9FFFFFFF  }
0xc2: {  	(tm) =	ssettm $0x7FFFFFFF  }
0xc3: {  	_ =	shalt  }
tec
execute0_lowered:
.L_overlay_start_1:
0x0: {  	(tag) =	ssettag $0x1  }
0x1: {  	s3 =	rddreg [dreg:$0x0]  }
0x2: {  	s12 =	rddreg [dreg:$0x1];
	s2 =	srdreg.scid  }
0x3: {  	s0 =	rddreg [dreg:$0x2];
	s1 =	stileid.u32;
	s13 =	sand.u32 $0x1, s2  }
0x4: {  	s2 =	simm.s32 $0x0;
	s4 =	sshll.u32 s1, $0x3;
	s5 =	sshll.u32 s13, $0x2  }
0x5: {  	[smem:$0x7FF] =	sst s2;
	s14 =	sor.u32 s5, s4  }
0x6: {  	_ =	strace $0x80000047;
	s4 =	sadd.s32 s3, s14;
	s3 =	simm.s32 $0x3  }
0x7: {  	[tilespmem:s2], [sflag:$0x3] =	stream.linear.gather [hbm4b:s4+s2], $0x20, $0x38;
	[tilespmem:$0x180] =	vst v63  }
0x8: {  	_ =	swait.ge [sflag:s3], $0x20  }
0x9: {  	s6 =	simm.s32 $0x20;
	[sflag:s3] =	ssyncset.done $0x0  }
0xa: {  	s7 =	simm.s32 $0x80;
	s5 =	sadd.s32 $0xA00, s12;
	[sflag:s3] =	ssyncadd.s32 $0xFFFFFFE0  }
0xb: {  	[tilespmem:s7], [sflag:$0x1] =	stream.indirect.gather [hbm4b:s5+s6], $0x1, s2, s6, $0xb8;
	[tilespmem:$0x180] =	vst v63  }
0xc: {  	s9 =	simm.s32 $0x100;
	s10 =	simm.s32 $0x1;
	s8 =	sadd.s32 $0x3C00, s12  }
0xd: {  	[tilespmem:s9], [sflag:$0x2] =	stream.indirect.gather [hbm4b:s8+s6], $0x1, s2, s6, $0xb8;
	[tilespmem:$0x180] =	vst v63  }
0xe: {  	_ =	swait.ge [sflag:s10], $0x20  }
0xf: {  	[sflag:s10] =	ssyncset.done $0x0  }
0x10: {  	s11 =	simm.s32 $0x2;
	s13 =	ssub.s32 $0x2, s13;
	[sflag:s10] =	ssyncadd.s32 $0xFFFFFFE0  }
0x11: {  	s15 =	sshrl.u32 s13, $0x1;
	_ =	swait.ge [sflag:s11], $0x20  }
0x12: {  	s14 =	sadd.s32 s14, s12;
	s15 =	ssub.s32 s13, s15;
	[sflag:s11] =	ssyncset.done $0x0  }
0x13: {  	s12 =	sadd.s32 $0x6E00, s14;
	s31 =	smax.u32 s15, $0x1;
	[sflag:s11] =	ssyncadd.s32 $0xFFFFFFE0  }
0x14: {  	[hbm4b:s12+s2] =	stream.linear.scatter [tilespmem:s7], [sflag:$0x3], $0x20, $0x38;
	[tilespmem:$0x180] =	vst v63  }
0x15: {  	p0 =	sne.s32 s31, $0x1;
	_ =	swait.ge [sflag:s3], $0x20  }
.Ltmp0:
0x16: {  	[sflag:s3] =	ssyncset.done $0x0;
	(pc) =	sbr.rel @!p0 .LBB2_2-.Ltmp0, $4  }
0x17: {  	s13 =	sadd.s32 $0x7000, s14;
	[sflag:s3] =	ssyncadd.s32 $0xFFFFFFE0  }
0x18: {  	[hbm4b:s13+s2] =	stream.linear.scatter [tilespmem:s9], [sflag:$0x3], $0x20, $0x38;
	[tilespmem:$0x180] =	vst v63  }
0x19: {  	_ =	swait.ge [sflag:s3], $0x20  }
0x1a: {  	s14 =	sadd.s32 $0xFFFFFFFF, s31;
	[sflag:s3] =	ssyncset.done $0x0  }
.LBB2_1:
0x1b: {  	p0 =	sne.s32 s14, $0x1;
	s14 =	sadd.s32 $0xFFFFFFFF, s14;
	[sflag:s3] =	ssyncadd.s32 $0xFFFFFFE0  }
0x1c: {  	[tilespmem:s2], [sflag:$0x3] =	stream.linear.gather [hbm4b:s4+s2], $0x20, $0x38;
	[tilespmem:$0x180] =	vst v63  }
0x1d: {  	_ =	swait.ge [sflag:s3], $0x20  }
0x1e: {  	[sflag:s3] =	ssyncset.done $0x0  }
0x1f: {  	[sflag:s3] =	ssyncadd.s32 $0xFFFFFFE0  }
0x20: {  	[tilespmem:s7], [sflag:$0x1] =	stream.indirect.gather [hbm4b:s5+s6], $0x1, s2, s6, $0xb8;
	[tilespmem:$0x180] =	vst v63  }
0x21: {  	_ = 	snop  }
0x22: {  	[tilespmem:s9], [sflag:$0x2] =	stream.indirect.gather [hbm4b:s8+s6], $0x1, s2, s6, $0xb8;
	[tilespmem:$0x180] =	vst v63  }
0x23: {  	_ =	swait.ge [sflag:s10], $0x20  }
0x24: {  	[sflag:s10] =	ssyncset.done $0x0  }
0x25: {  	[sflag:s10] =	ssyncadd.s32 $0xFFFFFFE0  }
0x26: {  	_ =	swait.ge [sflag:s11], $0x20  }
0x27: {  	[sflag:s11] =	ssyncset.done $0x0  }
0x28: {  	[sflag:s11] =	ssyncadd.s32 $0xFFFFFFE0  }
0x29: {  	[hbm4b:s12+s2] =	stream.linear.scatter [tilespmem:s7], [sflag:$0x3], $0x20, $0x38;
	[tilespmem:$0x180] =	vst v63  }
0x2a: {  	_ =	swait.ge [sflag:s3], $0x20  }
.Ltmp1:
0x2b: {  	[sflag:s3] =	ssyncset.done $0x0;
	(pc) =	sbr.rel @p0 .LBB2_1-.Ltmp1, $4  }
0x2c: {  	[sflag:s3] =	ssyncadd.s32 $0xFFFFFFE0  }
0x2d: {  	[hbm4b:s13+s2] =	stream.linear.scatter [tilespmem:s9], [sflag:$0x3], $0x20, $0x38;
	[tilespmem:$0x180] =	vst v63  }
0x2e: {  	_ =	swait.ge [sflag:s3], $0x20  }
0x2f: {  	[sflag:s3] =	ssyncset.done $0x0  }
.LBB2_2:
0x30: {  	[sflag:s3] =	ssyncadd.s32 $0xFFFFFFE0  }
0x31: {  	_ =	sfence.sel $0x180000  }
0x32: {  	[bflag:$0x0] =	sbarrier.arrive $0xFFFF  }
0x33: {  	p0 =	sne.s32 s1, $0x0;
	_ =	strace $0x90000047  }
0x34: {  	s0 =	sadd.s32 @!p0 $0x100000, s0;
	[bflag:$0x2] =	sbarrier.arrive $0xFFFF  }
0x35: {  	[sflag:s0] =	ssyncadd.tile.s32 @!p0 $0x1;
	_ =	shalt  }
.Lfunc_end2:
_tile_overlayer_lowered:
.L_overlay_start_2:
0x36: {  	(tag) =	ssettag $0x2  }
0x37: {  	s0 =	rddreg [dreg:$0x0];
	s2 =	stileid.u32  }
0x38: {  	s1 =	rddreg [dreg:$0x1];
	p0 =	sne.s32 s2, $0x0  }
0x39: {  	s3 =	rddreg [dreg:$0x2];
	[bflag:$0x3] =	sbarrier.arrive $0xFFFF;
	s2 =	simm.s32 @!p0 $0x1C03  }
0x3a: {  	[timem:s3], [sflag:s2] =	dma.local @!p0 [hbm:s0], s1  }
0x3b: {  	s0 =	simm.s32 @!p0 $0x3  }
0x3c: {  	_ =	swait.ge @!p0 [sflag:s0], s1  }
0x3d: {  	s1 =	ssub.s32 @!p0 $0x0, s1;
	[sflag:s0] =	ssyncset.done @!p0 $0x0  }
0x3e: {  	[sflag:s0] =	ssyncadd.s32 @!p0 s1  }
0x3f: {  	[bflag:$0x3] =	sbarrier.arrive $0xFFFF  }
0x40: {  	_ =	shalt  }

</sc_bundles>
